<compile_context>
chip_gen: v7x
topology: tpu7x:2x2x1
jax: 0.10.2.dev20260603
libtpu: 0.0.44.dev20260713+nightly
codegen_flags: <defaults>
</compile_context>

<pallas_src>
import jax
import jax.numpy as jnp
from jax import lax
from jax.experimental import pallas as pl
from jax.experimental.pallas import tpu as pltpu
from jax.experimental.pallas import tpu_sc as plsc

D_MODEL = 768
CHUNK_W = 32 * D_MODEL


def _sc_body(x_hbm, pe_hbm, out_hbm, xb, pb, sx, sp, so):
    wid = lax.axis_index("c") * 16 + lax.axis_index("s")
    b = wid // 8
    blk = wid % 8
    pltpu.async_copy(x_hbm.at[b, blk, pl.ds(0, CHUNK_W)], xb, sx)
    pltpu.async_copy(pe_hbm.at[blk, pl.ds(0, CHUNK_W)], pb, sp)
    pltpu.make_async_copy(x_hbm.at[b, blk, pl.ds(0, CHUNK_W)], xb, sx).wait()
    pltpu.make_async_copy(pe_hbm.at[blk, pl.ds(0, CHUNK_W)], pb, sp).wait()

    def add_body(i, _):
        off = i * 16
        plsc.addupdate(xb.at[pl.ds(off, 16)], pb[pl.ds(off, 16)])
        return 0

    lax.fori_loop(0, CHUNK_W // 16, add_body, 0, unroll=8)
    pltpu.async_copy(xb, out_hbm.at[b, blk, pl.ds(0, CHUNK_W)], so)
    pltpu.make_async_copy(xb, out_hbm.at[b, blk, pl.ds(0, CHUNK_W)], so).wait()


def kernel(x, pe):
    batch, seq_len, d_model = x.shape
    span = 1024 * d_model
    n_blk = seq_len // 1024
    x3 = x.reshape(batch, n_blk, span)
    pe2 = pe[:seq_len].reshape(n_blk, span)
    mesh = plsc.VectorSubcoreMesh(core_axis_name="c", subcore_axis_name="s")
    run = pl.kernel(
        _sc_body,
        out_type=jax.ShapeDtypeStruct((batch, n_blk, span), x.dtype),
        mesh=mesh,
        scratch_types=[
            pltpu.VMEM((CHUNK_W,), jnp.float32),
            pltpu.VMEM((CHUNK_W,), jnp.float32),
            pltpu.SemaphoreType.DMA,
            pltpu.SemaphoreType.DMA,
            pltpu.SemaphoreType.DMA,
        ],
    )
    out = run(x3, pe2)
    return out.reshape(batch, seq_len, d_model)

# --- scband reference (transcript-rebuilt; emitter-appended) ---
"""Pipeline reference for scband-positional-encoding-44650480009547 (READ-ONLY COPY).

The authoritative reference and input builder live on the scoring server;
editing this copy changes nothing except your own understanding.
"""

import jax, jax.numpy as jnp
import numpy as np

D_MODEL = 768
MAX_LEN = 8192
BATCH = 4
SEQ_LEN = 8192

def setup_inputs(seed: int = 0) -> dict:
    key = jax.random.key(seed)
    kx, kpe = jax.random.split(key)
    x = jax.random.normal(kx, (BATCH, SEQ_LEN, D_MODEL), dtype=jnp.float32)
    # learned positional embedding table (nn.Embedding weight), default N(0,1) init scaled
    pe = jax.random.normal(kpe, (MAX_LEN, D_MODEL), dtype=jnp.float32) * 0.02
    return {"x": x, "pe": pe}

def reference(x, pe):
    seq_len = x.shape[1]
    positions = jnp.arange(seq_len)  # int positions, [seq_len]
    pos_emb = jnp.take(pe, positions, axis=0)  # gather: [seq_len, d_model]
    return x + pos_emb[None, :, :]

if __name__ == "__main__":
    import jax
    _d = setup_inputs()
    print(jax.jit(kernel)(*tuple(_d.values())))

</pallas_src>

<mosaic_0001>
#map = affine_map<(d0, d1) -> (0, 0, 0)>
#map1 = affine_map<(d0, d1) -> (0, 0)>
module attributes {stable_mosaic.version = 14 : i64} {
  func.func @_sc_body(%arg0: i32, %arg1: i32, %arg2: memref<4x8x786432xf32, #tpu.memory_space<hbm>>, %arg3: memref<8x786432xf32, #tpu.memory_space<hbm>>, %arg4: memref<4x8x786432xf32, #tpu.memory_space<hbm>>, %arg5: memref<24576xf32, #tpu.memory_space<vmem>>, %arg6: memref<24576xf32, #tpu.memory_space<vmem>>, %arg7: memref<!tpu.dma_semaphore, #tpu.memory_space<semaphore_mem>>, %arg8: memref<!tpu.dma_semaphore, #tpu.memory_space<semaphore_mem>>, %arg9: memref<!tpu.dma_semaphore, #tpu.memory_space<semaphore_mem>>) attributes {dimension_semantics = [#tpu.dimension_semantics<core_parallel>, #tpu.dimension_semantics<subcore_parallel>], iteration_bounds = array<i64: 2, 16>, scalar_prefetch = 0 : i64, scratch_operands = 5 : i64, tpu.core_type = #tpu.core_type<sc_vector_subcore>, window_params = [{transform_indices = #map}, {transform_indices = #map1}, {transform_indices = #map}]} {
    %mul3A = arith.constant 16 : i32
    %mul3A_0 = arith.muli %arg0, %mul3A : i32
    %add3A = arith.addi %mul3A_0, %arg1 : i32
    %jit3A = arith.constant 8 : i32
    %div3A = arith.divsi %add3A, %jit3A : i32
    %sign3A = arith.constant 0 : i32
    %sign3A_1 = arith.cmpi sgt, %add3A, %sign3A : i32
    %sign3A_2 = arith.extui %sign3A_1 : i1 to i32
    %sign3A_3 = arith.constant 0 : i32
    %sign3A_4 = arith.cmpi slt, %add3A, %sign3A_3 : i32
    %sign3A_5 = arith.extui %sign3A_4 : i1 to i32
    %sign3A_6 = arith.subi %sign3A_2, %sign3A_5 : i32
    %sign3A_7 = arith.constant 0 : i32
    %sign3A_8 = arith.cmpi sgt, %jit3A, %sign3A_7 : i32
    %sign3A_9 = arith.extui %sign3A_8 : i1 to i32
    %sign3A_10 = arith.constant 0 : i32
    %sign3A_11 = arith.cmpi slt, %jit3A, %sign3A_10 : i32
    %sign3A_12 = arith.extui %sign3A_11 : i1 to i32
    %sign3A_13 = arith.subi %sign3A_9, %sign3A_12 : i32
    %ne3A = arith.cmpi ne, %sign3A_6, %sign3A_13 : i32
    %rem3A = arith.remsi %add3A, %jit3A : i32
    %ne3A_14 = arith.constant 0 : i32
    %ne3A_15 = arith.cmpi ne, %rem3A, %ne3A_14 : i32
    %and3A = arith.andi %ne3A, %ne3A_15 : i1
    %sub3A = arith.constant 1 : i32
    %sub3A_16 = arith.subi %div3A, %sub3A : i32
    %select_n3A = arith.select %and3A, %sub3A_16, %div3A : i32
    %jit3A_17 = arith.constant 8 : i32
    %eq3A = arith.constant 0 : i32
    %eq3A_18 = arith.cmpi eq, %jit3A_17, %eq3A : i32
    %jit3A_19 = arith.constant 1 : i32
    %select_n3A_20 = arith.select %eq3A_18, %jit3A_19, %jit3A_17 : i32
    %rem3A_21 = arith.remsi %add3A, %select_n3A_20 : i32
    %ne3A_22 = arith.constant 0 : i32
    %ne3A_23 = arith.cmpi ne, %rem3A_21, %ne3A_22 : i32
    %lt3A = arith.constant 0 : i32
    %lt3A_24 = arith.cmpi slt, %rem3A_21, %lt3A : i32
    %lt3A_25 = arith.constant 0 : i32
    %lt3A_26 = arith.cmpi slt, %select_n3A_20, %lt3A_25 : i32
    %ne3A_27 = arith.xori %lt3A_24, %lt3A_26 : i1
    %and3A_28 = arith.andi %ne3A_27, %ne3A_23 : i1
    %add3A_29 = arith.addi %rem3A_21, %select_n3A_20 : i32
    %select_n3A_30 = arith.select %and3A_28, %add3A_29, %rem3A_21 : i32
    %dma_start3A = arith.constant 0 : i32
    %dma_start3A_31 = tpu.memref_slice %arg2[%select_n3A, %select_n3A_30, %dma_start3A] : memref<4x8x786432xf32, #tpu.memory_space<hbm>> -> memref<1x1x24576xf32, #tpu.memory_space<hbm>>
    %dma_start3A_32 = tpu.memref_squeeze %dma_start3A_31 : memref<1x1x24576xf32, #tpu.memory_space<hbm>> -> memref<24576xf32, #tpu.memory_space<hbm>>
    %dma_start3A_33 = arith.constant 0 : i32
    %dma_start3A_34 = tpu.memref_slice %arg2[%select_n3A, %select_n3A_30, %dma_start3A_33] : memref<4x8x786432xf32, #tpu.memory_space<hbm>> -> memref<1x1x24576xf32, #tpu.memory_space<hbm>>
    %dma_start3A_35 = tpu.memref_squeeze %dma_start3A_34 : memref<1x1x24576xf32, #tpu.memory_space<hbm>> -> memref<24576xf32, #tpu.memory_space<hbm>>
    tpu.enqueue_dma source(%dma_start3A_35 : memref<24576xf32, #tpu.memory_space<hbm>>) target(%arg5 : memref<24576xf32, #tpu.memory_space<vmem>>) target_semaphore(%arg7 : memref<!tpu.dma_semaphore, #tpu.memory_space<semaphore_mem>>)
    %dma_start3A_36 = arith.constant 0 : i32
    %dma_start3A_37 = tpu.memref_slice %arg3[%select_n3A_30, %dma_start3A_36] : memref<8x786432xf32, #tpu.memory_space<hbm>> -> memref<1x24576xf32, #tpu.memory_space<hbm>>
    %dma_start3A_38 = tpu.memref_squeeze %dma_start3A_37 : memref<1x24576xf32, #tpu.memory_space<hbm>> -> memref<24576xf32, #tpu.memory_space<hbm>>
    %dma_start3A_39 = arith.constant 0 : i32
    %dma_start3A_40 = tpu.memref_slice %arg3[%select_n3A_30, %dma_start3A_39] : memref<8x786432xf32, #tpu.memory_space<hbm>> -> memref<1x24576xf32, #tpu.memory_space<hbm>>
    %dma_start3A_41 = tpu.memref_squeeze %dma_start3A_40 : memref<1x24576xf32, #tpu.memory_space<hbm>> -> memref<24576xf32, #tpu.memory_space<hbm>>
    tpu.enqueue_dma source(%dma_start3A_41 : memref<24576xf32, #tpu.memory_space<hbm>>) target(%arg6 : memref<24576xf32, #tpu.memory_space<vmem>>) target_semaphore(%arg8 : memref<!tpu.dma_semaphore, #tpu.memory_space<semaphore_mem>>)
    %dma_wait3A = arith.constant 0 : i32
    %dma_wait3A_42 = tpu.memref_slice %arg2[%select_n3A, %select_n3A_30, %dma_wait3A] : memref<4x8x786432xf32, #tpu.memory_space<hbm>> -> memref<1x1x24576xf32, #tpu.memory_space<hbm>>
    %dma_wait3A_43 = tpu.memref_squeeze %dma_wait3A_42 : memref<1x1x24576xf32, #tpu.memory_space<hbm>> -> memref<24576xf32, #tpu.memory_space<hbm>>
    %dma_wait3A_44 = arith.constant 0 : i32
    %dma_wait3A_45 = tpu.memref_slice %arg2[%select_n3A, %select_n3A_30, %dma_wait3A_44] : memref<4x8x786432xf32, #tpu.memory_space<hbm>> -> memref<1x1x24576xf32, #tpu.memory_space<hbm>>
    %dma_wait3A_46 = tpu.memref_squeeze %dma_wait3A_45 : memref<1x1x24576xf32, #tpu.memory_space<hbm>> -> memref<24576xf32, #tpu.memory_space<hbm>>
    tpu.wait_dma2 semaphore(%arg7 : memref<!tpu.dma_semaphore, #tpu.memory_space<semaphore_mem>>) src(%dma_wait3A_46 : memref<24576xf32, #tpu.memory_space<hbm>>) dst(%arg5 : memref<24576xf32, #tpu.memory_space<vmem>>)
    %dma_wait3A_47 = arith.constant 0 : i32
    %dma_wait3A_48 = tpu.memref_slice %arg3[%select_n3A_30, %dma_wait3A_47] : memref<8x786432xf32, #tpu.memory_space<hbm>> -> memref<1x24576xf32, #tpu.memory_space<hbm>>
    %dma_wait3A_49 = tpu.memref_squeeze %dma_wait3A_48 : memref<1x24576xf32, #tpu.memory_space<hbm>> -> memref<24576xf32, #tpu.memory_space<hbm>>
    %dma_wait3A_50 = arith.constant 0 : i32
    %dma_wait3A_51 = tpu.memref_slice %arg3[%select_n3A_30, %dma_wait3A_50] : memref<8x786432xf32, #tpu.memory_space<hbm>> -> memref<1x24576xf32, #tpu.memory_space<hbm>>
    %dma_wait3A_52 = tpu.memref_squeeze %dma_wait3A_51 : memref<1x24576xf32, #tpu.memory_space<hbm>> -> memref<24576xf32, #tpu.memory_space<hbm>>
    tpu.wait_dma2 semaphore(%arg8 : memref<!tpu.dma_semaphore, #tpu.memory_space<semaphore_mem>>) src(%dma_wait3A_52 : memref<24576xf32, #tpu.memory_space<hbm>>) dst(%arg6 : memref<24576xf32, #tpu.memory_space<vmem>>)
    %scan3A = arith.constant 0 : i32
    %scan3A_53 = arith.constant 0 : i32
    %scan3A_54 = arith.constant 1536 : i32
    %scan3A_55 = arith.addi %scan3A_53, %scan3A_54 : i32
    %scan3A_56 = arith.constant 8 : i32
    %scan3A_57 = scf.for %scan3A_71 = %scan3A_53 to %scan3A_55 step %scan3A_56 iter_args(%scan3A_72 = %scan3A) -> (i32)  : i32 {
      %mul3A_73 = arith.constant 16 : i32
      %mul3A_74 = arith.muli %scan3A_71, %mul3A_73 : i32
      %get3A = arith.index_cast %mul3A_74 : i32 to index
      %get3A_75 = tpu.vector_load %arg6[%get3A] {strides = array<i32>} : memref<24576xf32, #tpu.memory_space<vmem>>, vector<16xf32>,
      %get3A_76 = vector.shape_cast %get3A_75 : vector<16xf32> to vector<16xf32>
      %swap3A = arith.index_cast %mul3A_74 : i32 to index
      %swap3A_77 = tpu.vector_load %arg5[%swap3A] {strides = array<i32>} : memref<24576xf32, #tpu.memory_space<vmem>>, vector<16xf32>,
      %swap3A_78 = vector.shape_cast %swap3A_77 : vector<16xf32> to vector<16xf32>
      %swap3A_79 = vector.shape_cast %get3A_76 : vector<16xf32> to vector<16xf32>
      tpu.vector_store %arg5[%swap3A], %swap3A_79 {add = true, strides = array<i32>} : memref<24576xf32, #tpu.memory_space<vmem>>, vector<16xf32>,
      %scan3A_80 = arith.constant 0 : i32
      %scan3A_81 = arith.constant 1 : i32
      %scan3A_82 = arith.addi %scan3A_71, %scan3A_81 : i32
      %mul3A_83 = arith.constant 16 : i32
      %mul3A_84 = arith.muli %scan3A_82, %mul3A_83 : i32
      %get3A_85 = arith.index_cast %mul3A_84 : i32 to index
      %get3A_86 = tpu.vector_load %arg6[%get3A_85] {strides = array<i32>} : memref<24576xf32, #tpu.memory_space<vmem>>, vector<16xf32>,
      %get3A_87 = vector.shape_cast %get3A_86 : vector<16xf32> to vector<16xf32>
      %swap3A_88 = arith.index_cast %mul3A_84 : i32 to index
      %swap3A_89 = tpu.vector_load %arg5[%swap3A_88] {strides = array<i32>} : memref<24576xf32, #tpu.memory_space<vmem>>, vector<16xf32>,
      %swap3A_90 = vector.shape_cast %swap3A_89 : vector<16xf32> to vector<16xf32>
      %swap3A_91 = vector.shape_cast %get3A_87 : vector<16xf32> to vector<16xf32>
      tpu.vector_store %arg5[%swap3A_88], %swap3A_91 {add = true, strides = array<i32>} : memref<24576xf32, #tpu.memory_space<vmem>>, vector<16xf32>,
      %scan3A_92 = arith.constant 0 : i32
      %scan3A_93 = arith.constant 2 : i32
      %scan3A_94 = arith.addi %scan3A_71, %scan3A_93 : i32
      %mul3A_95 = arith.constant 16 : i32
      %mul3A_96 = arith.muli %scan3A_94, %mul3A_95 : i32
      %get3A_97 = arith.index_cast %mul3A_96 : i32 to index
      %get3A_98 = tpu.vector_load %arg6[%get3A_97] {strides = array<i32>} : memref<24576xf32, #tpu.memory_space<vmem>>, vector<16xf32>,
      %get3A_99 = vector.shape_cast %get3A_98 : vector<16xf32> to vector<16xf32>
      %swap3A_100 = arith.index_cast %mul3A_96 : i32 to index
      %swap3A_101 = tpu.vector_load %arg5[%swap3A_100] {strides = array<i32>} : memref<24576xf32, #tpu.memory_space<vmem>>, vector<16xf32>,
      %swap3A_102 = vector.shape_cast %swap3A_101 : vector<16xf32> to vector<16xf32>
      %swap3A_103 = vector.shape_cast %get3A_99 : vector<16xf32> to vector<16xf32>
      tpu.vector_store %arg5[%swap3A_100], %swap3A_103 {add = true, strides = array<i32>} : memref<24576xf32, #tpu.memory_space<vmem>>, vector<16xf32>,
      %scan3A_104 = arith.constant 0 : i32
      %scan3A_105 = arith.constant 3 : i32
      %scan3A_106 = arith.addi %scan3A_71, %scan3A_105 : i32
      %mul3A_107 = arith.constant 16 : i32
      %mul3A_108 = arith.muli %scan3A_106, %mul3A_107 : i32
      %get3A_109 = arith.index_cast %mul3A_108 : i32 to index
      %get3A_110 = tpu.vector_load %arg6[%get3A_109] {strides = array<i32>} : memref<24576xf32, #tpu.memory_space<vmem>>, vector<16xf32>,
      %get3A_111 = vector.shape_cast %get3A_110 : vector<16xf32> to vector<16xf32>
      %swap3A_112 = arith.index_cast %mul3A_108 : i32 to index
      %swap3A_113 = tpu.vector_load %arg5[%swap3A_112] {strides = array<i32>} : memref<24576xf32, #tpu.memory_space<vmem>>, vector<16xf32>,
      %swap3A_114 = vector.shape_cast %swap3A_113 : vector<16xf32> to vector<16xf32>
      %swap3A_115 = vector.shape_cast %get3A_111 : vector<16xf32> to vector<16xf32>
      tpu.vector_store %arg5[%swap3A_112], %swap3A_115 {add = true, strides = array<i32>} : memref<24576xf32, #tpu.memory_space<vmem>>, vector<16xf32>,
      %scan3A_116 = arith.constant 0 : i32
      %scan3A_117 = arith.constant 4 : i32
      %scan3A_118 = arith.addi %scan3A_71, %scan3A_117 : i32
      %mul3A_119 = arith.constant 16 : i32
      %mul3A_120 = arith.muli %scan3A_118, %mul3A_119 : i32
      %get3A_121 = arith.index_cast %mul3A_120 : i32 to index
      %get3A_122 = tpu.vector_load %arg6[%get3A_121] {strides = array<i32>} : memref<24576xf32, #tpu.memory_space<vmem>>, vector<16xf32>,
      %get3A_123 = vector.shape_cast %get3A_122 : vector<16xf32> to vector<16xf32>
      %swap3A_124 = arith.index_cast %mul3A_120 : i32 to index
      %swap3A_125 = tpu.vector_load %arg5[%swap3A_124] {strides = array<i32>} : memref<24576xf32, #tpu.memory_space<vmem>>, vector<16xf32>,
      %swap3A_126 = vector.shape_cast %swap3A_125 : vector<16xf32> to vector<16xf32>
      %swap3A_127 = vector.shape_cast %get3A_123 : vector<16xf32> to vector<16xf32>
      tpu.vector_store %arg5[%swap3A_124], %swap3A_127 {add = true, strides = array<i32>} : memref<24576xf32, #tpu.memory_space<vmem>>, vector<16xf32>,
      %scan3A_128 = arith.constant 0 : i32
      %scan3A_129 = arith.constant 5 : i32
      %scan3A_130 = arith.addi %scan3A_71, %scan3A_129 : i32
      %mul3A_131 = arith.constant 16 : i32
      %mul3A_132 = arith.muli %scan3A_130, %mul3A_131 : i32
      %get3A_133 = arith.index_cast %mul3A_132 : i32 to index
      %get3A_134 = tpu.vector_load %arg6[%get3A_133] {strides = array<i32>} : memref<24576xf32, #tpu.memory_space<vmem>>, vector<16xf32>,
      %get3A_135 = vector.shape_cast %get3A_134 : vector<16xf32> to vector<16xf32>
      %swap3A_136 = arith.index_cast %mul3A_132 : i32 to index
      %swap3A_137 = tpu.vector_load %arg5[%swap3A_136] {strides = array<i32>} : memref<24576xf32, #tpu.memory_space<vmem>>, vector<16xf32>,
      %swap3A_138 = vector.shape_cast %swap3A_137 : vector<16xf32> to vector<16xf32>
      %swap3A_139 = vector.shape_cast %get3A_135 : vector<16xf32> to vector<16xf32>
      tpu.vector_store %arg5[%swap3A_136], %swap3A_139 {add = true, strides = array<i32>} : memref<24576xf32, #tpu.memory_space<vmem>>, vector<16xf32>,
      %scan3A_140 = arith.constant 0 : i32
      %scan3A_141 = arith.constant 6 : i32
      %scan3A_142 = arith.addi %scan3A_71, %scan3A_141 : i32
      %mul3A_143 = arith.constant 16 : i32
      %mul3A_144 = arith.muli %scan3A_142, %mul3A_143 : i32
      %get3A_145 = arith.index_cast %mul3A_144 : i32 to index
      %get3A_146 = tpu.vector_load %arg6[%get3A_145] {strides = array<i32>} : memref<24576xf32, #tpu.memory_space<vmem>>, vector<16xf32>,
      %get3A_147 = vector.shape_cast %get3A_146 : vector<16xf32> to vector<16xf32>
      %swap3A_148 = arith.index_cast %mul3A_144 : i32 to index
      %swap3A_149 = tpu.vector_load %arg5[%swap3A_148] {strides = array<i32>} : memref<24576xf32, #tpu.memory_space<vmem>>, vector<16xf32>,
      %swap3A_150 = vector.shape_cast %swap3A_149 : vector<16xf32> to vector<16xf32>
      %swap3A_151 = vector.shape_cast %get3A_147 : vector<16xf32> to vector<16xf32>
      tpu.vector_store %arg5[%swap3A_148], %swap3A_151 {add = true, strides = array<i32>} : memref<24576xf32, #tpu.memory_space<vmem>>, vector<16xf32>,
      %scan3A_152 = arith.constant 0 : i32
      %scan3A_153 = arith.constant 7 : i32
      %scan3A_154 = arith.addi %scan3A_71, %scan3A_153 : i32
      %mul3A_155 = arith.constant 16 : i32
      %mul3A_156 = arith.muli %scan3A_154, %mul3A_155 : i32
      %get3A_157 = arith.index_cast %mul3A_156 : i32 to index
      %get3A_158 = tpu.vector_load %arg6[%get3A_157] {strides = array<i32>} : memref<24576xf32, #tpu.memory_space<vmem>>, vector<16xf32>,
      %get3A_159 = vector.shape_cast %get3A_158 : vector<16xf32> to vector<16xf32>
      %swap3A_160 = arith.index_cast %mul3A_156 : i32 to index
      %swap3A_161 = tpu.vector_load %arg5[%swap3A_160] {strides = array<i32>} : memref<24576xf32, #tpu.memory_space<vmem>>, vector<16xf32>,
      %swap3A_162 = vector.shape_cast %swap3A_161 : vector<16xf32> to vector<16xf32>
      %swap3A_163 = vector.shape_cast %get3A_159 : vector<16xf32> to vector<16xf32>
      tpu.vector_store %arg5[%swap3A_160], %swap3A_163 {add = true, strides = array<i32>} : memref<24576xf32, #tpu.memory_space<vmem>>, vector<16xf32>,
      %scan3A_164 = arith.constant 0 : i32
      scf.yield %scan3A_164 : i32
    }
    %scan3A_58 = arith.constant 1536 : i32
    %dma_start3A_59 = arith.constant 0 : i32
    %dma_start3A_60 = tpu.memref_slice %arg4[%select_n3A, %select_n3A_30, %dma_start3A_59] : memref<4x8x786432xf32, #tpu.memory_space<hbm>> -> memref<1x1x24576xf32, #tpu.memory_space<hbm>>
    %dma_start3A_61 = tpu.memref_squeeze %dma_start3A_60 : memref<1x1x24576xf32, #tpu.memory_space<hbm>> -> memref<24576xf32, #tpu.memory_space<hbm>>
    %dma_start3A_62 = arith.constant 0 : i32
    %dma_start3A_63 = tpu.memref_slice %arg4[%select_n3A, %select_n3A_30, %dma_start3A_62] : memref<4x8x786432xf32, #tpu.memory_space<hbm>> -> memref<1x1x24576xf32, #tpu.memory_space<hbm>>
    %dma_start3A_64 = tpu.memref_squeeze %dma_start3A_63 : memref<1x1x24576xf32, #tpu.memory_space<hbm>> -> memref<24576xf32, #tpu.memory_space<hbm>>
    tpu.enqueue_dma source(%arg5 : memref<24576xf32, #tpu.memory_space<vmem>>) target(%dma_start3A_64 : memref<24576xf32, #tpu.memory_space<hbm>>) target_semaphore(%arg9 : memref<!tpu.dma_semaphore, #tpu.memory_space<semaphore_mem>>)
    %dma_wait3A_65 = arith.constant 0 : i32
    %dma_wait3A_66 = tpu.memref_slice %arg4[%select_n3A, %select_n3A_30, %dma_wait3A_65] : memref<4x8x786432xf32, #tpu.memory_space<hbm>> -> memref<1x1x24576xf32, #tpu.memory_space<hbm>>
    %dma_wait3A_67 = tpu.memref_squeeze %dma_wait3A_66 : memref<1x1x24576xf32, #tpu.memory_space<hbm>> -> memref<24576xf32, #tpu.memory_space<hbm>>
    %dma_wait3A_68 = arith.constant 0 : i32
    %dma_wait3A_69 = tpu.memref_slice %arg4[%select_n3A, %select_n3A_30, %dma_wait3A_68] : memref<4x8x786432xf32, #tpu.memory_space<hbm>> -> memref<1x1x24576xf32, #tpu.memory_space<hbm>>
    %dma_wait3A_70 = tpu.memref_squeeze %dma_wait3A_69 : memref<1x1x24576xf32, #tpu.memory_space<hbm>> -> memref<24576xf32, #tpu.memory_space<hbm>>
    tpu.wait_dma2 semaphore(%arg9 : memref<!tpu.dma_semaphore, #tpu.memory_space<semaphore_mem>>) src(%arg5 : memref<24576xf32, #tpu.memory_space<vmem>>) dst(%dma_wait3A_70 : memref<24576xf32, #tpu.memory_space<hbm>>)
    return
  }
}

</mosaic_0001>

<sc_bundles>
// kernel: kernel.3.cloned.1.call-start
scs
__scs_entry_jumppad:
0x0: {  	(pc) =	sbr.rel $0x88, $3  }
0x1: {  	(tag) =	ssettag $0x0;
	lr =	simm.s32 $0x1  }
0x2: {  	[smem:$0x3F9F] =	sst lr;
	_ =	strace $0xD0000000  }
0x3: {  	_ = 	snop  }
0x4: {  	_ = 	snop  }
0x5: {  	_ = 	snop  }
0x6: {  	_ = 	snop  }
0x7: {  	_ = 	snop  }
__scs_overlays_trampoline_lowered:
0x8: {  	[smem:$0x3FAE] =	sst s0  }
0x9: {  	[smem:$0x3FAF] =	sst s1  }
0xa: {  	[smem:$0x3FB0] =	sst s2  }
0xb: {  	[smem:$0x3FB1] =	sst s3  }
0xc: {  	[smem:$0x3FB2] =	sst s4  }
0xd: {  	[smem:$0x3FB3] =	sst s5  }
0xe: {  	[smem:$0x3FB4] =	sst s6  }
0xf: {  	[smem:$0x3FB5] =	sst s7  }
0x10: {  	[smem:$0x3FB6] =	sst s8  }
0x11: {  	[smem:$0x3FB7] =	sst s9;
	s0 =	simm.s32 @!p0 $0x0  }
0x12: {  	s1 =	sld [smem:$0x3F9D];
	s0 =	simm.s32 @p0 $0x1  }
0x13: {  	[smem:$0x3FB8] =	sst s0;
	s0 =	simm.s32 @!p1 $0x0  }
0x14: {  	s2 =	sld [smem:$0x3F9C];
	s0 =	simm.s32 @p1 $0x1  }
0x15: {  	[smem:$0x3FB9] =	sst s0;
	s0 =	simm.s32 @!p2 $0x0  }
0x16: {  	s3 =	sld [smem:$0x3FDB];
	s0 =	simm.s32 @p2 $0x1  }
0x17: {  	s4 =	simm.s32 $0x1BF5;
	[smem:$0x3FBB] =	sst s0  }
0x18: {  	s0 =	sld [smem:$0x3F9E];
	_ =	swait.ge [sflag:s4], $0x0  }
0x19: {  	s7 =	sld [smem:$0x3F9F]  }
0x1a: {  	s8 =	sadd.s32 $0xFFFFE003, lr  }
0x1b: {  	s9 =	sadd.s32 $0xFFFFFEF7, lr;
	s5 =	simm.s32 $0xFFFFFFFF;
	p2 =	slt.u32 s8, $0xFFFFF086  }
0x1c: {  	p1 =	slt.u32 s9, $0xF7A;
	s5 =	simm.s32 @!p2 $0x0  }
0x1d: {  	s5 =	simm.s32 @p1 $0x1;
	p0 =	seq.s32 s7, s2  }
0x1e: {  	s7 =	smul.u32 @!p0 $0xF7A, s2;
	p2 =	seq.s32 @!p0 s5, $0x0  }
0x1f: {  	s9 =	smul.u32 $0xF7A, s1;
	s8 =	simm.s32 @!p0 $0x1BF5;
	p2 =	por !p2, p0  }
0x20: {  	[sflag:s8] =	ssyncset.s32 @!p0 $0xFFFFF086;
	s6 =	sadd.s32 @!p0 s3, s7;
	s7 =	simm.s32 @!p0 $0x108  }
0x21: {  	s3 =	sadd.s32 s3, s9;
	s6 =	sadd.s32 @!p0 $0x88, s6;
	s7 =	simm.s32 @p2 $0x1082  }
0x22: {  	[simem:s7], [sflag:s8] =	dma.local @!p0 [hbm:s6], $0xF7A  }
0x23: {  	s9 =	sor.u32 $0xD0000000, s2;
	s6 =	simm.s32 $0x108;
	_ =	swait.ge @!p0 [sflag:s8], $0x0  }
0x24: {  	s3 =	sadd.s32 $0x88, s3;
	s6 =	simm.s32 @!p1 $0x1082;
	[sflag:s4] =	ssyncset.s32 $0xFFFFF086  }
0x25: {  	[simem:s6], [sflag:s4] =	dma.local [hbm:s3], $0xF7A  }
0x26: {  	[smem:$0x3F9F] =	sst s1;
	(tag) =	ssettag s2;
	_ =	strace s9  }
0x27: {  	s1 =	sld [smem:$0x3FAF]  }
0x28: {  	s2 =	sld [smem:$0x3FB0]  }
0x29: {  	s4 =	sld [smem:$0x3FB2]  }
0x2a: {  	p0 =	seq.s32 s5, $0x0;
	s5 =	sld [smem:$0x3FB3]  }
0x2b: {  	s6 =	sld [smem:$0x3FB4]  }
0x2c: {  	s7 =	sld [smem:$0x3FB5]  }
0x2d: {  	s3 =	simm.s32 $0x108;
	s8 =	sld [smem:$0x3FB6]  }
0x2e: {  	s3 =	simm.s32 @!p0 $0x1082;
	s9 =	sld [smem:$0x3FB7]  }
0x2f: {  	lr =	sadd.s32 s0, s3;
	s0 =	sld [smem:$0x3FAE]  }
0x30: {  	s3 =	sld [smem:$0x3FB1]  }
0x31: {  	[smem:$0x3FBA] =	sst s10  }
0x32: {  	s10 =	sld [smem:$0x3FB8];
	_ =	sdelay $0x3  }
0x33: {  	p0 =	seq.s32 s10, $0x1;
	s10 =	sld [smem:$0x3FBA];
	_ =	sdelay $0x3  }
0x34: {  	[smem:$0x3FBA] =	sst s10  }
0x35: {  	s10 =	sld [smem:$0x3FB9];
	_ =	sdelay $0x3  }
0x36: {  	p1 =	seq.s32 s10, $0x1;
	s10 =	sld [smem:$0x3FBA];
	_ =	sdelay $0x3  }
0x37: {  	[smem:$0x3FBA] =	sst s10  }
0x38: {  	s10 =	sld [smem:$0x3FBB]  }
0x39: {  	_ = 	snop;
	(pc) =	sbr.ind lr, $3  }
0x3a: {  	_ = 	snop  }
0x3b: {  	_ = 	snop  }
0x3c: {  	p2 =	seq.s32 s10, $0x1;
	s10 =	sld [smem:$0x3FBA]  }
0x3d: {  	_ =	shalt  }
0x3e: {  	_ =	shalt  }
0x3f: {  	_ =	shalt  }
0x40: {  	_ =	shalt  }
0x41: {  	_ =	shalt  }
0x42: {  	_ =	shalt  }
0x43: {  	_ =	shalt  }
0x44: {  	_ =	shalt  }
0x45: {  	_ =	shalt  }
0x46: {  	_ =	shalt  }
0x47: {  	_ =	shalt  }
0x48: {  	_ =	shalt  }
0x49: {  	_ =	shalt  }
0x4a: {  	_ =	shalt  }
0x4b: {  	_ =	shalt  }
0x4c: {  	_ =	shalt  }
0x4d: {  	_ =	shalt  }
0x4e: {  	_ =	shalt  }
0x4f: {  	_ =	shalt  }
0x50: {  	_ =	shalt  }
0x51: {  	_ =	shalt  }
0x52: {  	_ =	shalt  }
0x53: {  	_ =	shalt  }
0x54: {  	_ =	shalt  }
0x55: {  	_ =	shalt  }
0x56: {  	_ =	shalt  }
0x57: {  	_ =	shalt  }
0x58: {  	_ =	shalt  }
0x59: {  	_ =	shalt  }
0x5a: {  	_ =	shalt  }
0x5b: {  	_ =	shalt  }
0x5c: {  	_ =	shalt  }
0x5d: {  	_ =	shalt  }
0x5e: {  	_ =	shalt  }
0x5f: {  	_ =	shalt  }
0x60: {  	_ =	shalt  }
0x61: {  	_ =	shalt  }
0x62: {  	_ =	shalt  }
0x63: {  	_ =	shalt  }
0x64: {  	_ =	shalt  }
0x65: {  	_ =	shalt  }
0x66: {  	_ =	shalt  }
0x67: {  	_ =	shalt  }
0x68: {  	_ =	shalt  }
0x69: {  	_ =	shalt  }
0x6a: {  	_ =	shalt  }
0x6b: {  	_ =	shalt  }
0x6c: {  	_ =	shalt  }
0x6d: {  	_ =	shalt  }
0x6e: {  	_ =	shalt  }
0x6f: {  	_ =	shalt  }
0x70: {  	_ =	shalt  }
0x71: {  	_ =	shalt  }
0x72: {  	_ =	shalt  }
0x73: {  	_ =	shalt  }
0x74: {  	_ =	shalt  }
0x75: {  	_ =	shalt  }
0x76: {  	_ =	shalt  }
0x77: {  	_ =	shalt  }
0x78: {  	_ =	shalt  }
0x79: {  	_ =	shalt  }
0x7a: {  	_ =	shalt  }
0x7b: {  	_ =	shalt  }
0x7c: {  	_ =	shalt  }
0x7d: {  	_ =	shalt  }
0x7e: {  	_ =	shalt  }
0x7f: {  	_ =	shalt  }
0x80: {  	_ =	shalt  }
0x81: {  	_ =	shalt  }
0x82: {  	_ =	shalt  }
0x83: {  	_ =	shalt  }
0x84: {  	_ =	shalt  }
0x85: {  	_ =	shalt  }
0x86: {  	_ =	shalt  }
0x87: {  	_ =	shalt  }
.Lfunc_end0:
.L_simem_size_0:
called_computation_lowered:
.L_overlay_start_0:
0x88: {  	s2 =	sld [smem:$0x3FD9]  }
0x89: {  	s3 =	sld [smem:$0x3FFE];
	_ =	sdelay $0x1  }
0x8a: {  	s1 =	srdreg.scid  }
0x8b: {  	s0 =	sand.u32 $0x1, s1  }
0x8c: {  	s17 =	sshll.u32 s0, $0xA;
	s2 =	sadd.s32 s3, s2  }
0x8d: {  	s2 =	sadd.s32 s2, s17  }
0x8e: {  	[smem:$0x3FC6] =	sst s2  }
0x8f: {  	_ = 	snop  }
0x90: {  	s2 =	sld [smem:$0x3FD0];
	(tm) =	ssettm $0x1  }
0x91: {  	s18 =	sld [smem:$0x3FFB];
	_ =	sdelay $0x3  }
0x92: {  	_ =	strace s18  }
0x93: {  	s3 =	sld [smem:$0x3FFC];
	_ =	sdelay $0x3  }
0x94: {  	_ =	strace s3  }
0x95: {  	s3 =	sld [smem:$0x3FFD];
	_ =	sdelay $0x3  }
0x96: {  	_ =	strace s3  }
0x97: {  	_ =	strace $0x8FFFFFFF  }
0x98: {  	s19 =	sld [smem:$0x3FDB];
	_ =	sdelay $0x1  }
0x99: {  	s4 =	simm.s32 $_scs_section_size  }
0x9a: {  	s5 =	simm.s32 $_size__tile_overlayer_lowered;
	s6 =	simm.s32 $_tile_overlayer_lowered  }
0x9b: {  	s22 =	simm.s32 $0x1BFF;
	s21 =	sshll.u32 s6, $0x1;
	s3 =	sadd.s32 s4, s19  }
0x9c: {  	s7 =	simm.s32 $0x0;
	s20 =	sshll.u32 s5, $0x1;
	s5 =	sadd.s32 s21, s3  }
0x9d: {  	[timem:s7], [sflag:s22] =	dma.local [hbm:s5], s20  }
0x9e: {  	_ =	swait.ge [sflag:s22], s20  }
0x9f: {  	s4 =	ssub.s32 $0x0, s20;
	[sflag:s22] =	ssyncset.done $0x0  }
0xa0: {  	[sflag:s22] =	ssyncadd.s32 s4;
	_ =	sdelay $0x1  }
0xa1: {  	s23 =	simm.s32 $0x1B8B  }
0xa2: {  	_ =	swait.ge [sflag:s23], $0x1  }
0xa3: {  	[sflag:s23] =	ssyncset.done $0x0  }
0xa4: {  	s25 =	simm.s32 $0x1B8E;
	s24 =	sld [smem:$0x3FFE];
	[sflag:s23] =	ssyncadd.s32 $0xFFFFFFFF  }
0xa5: {  	s26 =	simm.s32 $execute0_lowered;
	[smem:$0x3FD2] =	sst s25  }
0xa6: {  	s5 =	sshll.u32 s26, $0x1;
	_ =	strace $0x80000046;
	[dreg:$0x1] =	wrdreg $0xFFFFFFFF  }
0xa7: {  	s28 =	simm.s32 $_size_execute0_lowered;
	s3 =	sadd.s32 s3, s5;
	[dreg:$0x0] =	wrdreg $0x0  }
0xa8: {  	s5 =	sshll.u32 s28, $0x1;
	[dreg:$0x2] =	wrdreg s3  }
0xa9: {  	[dreg:$0x3] =	wrdreg s5  }
0xaa: {  	[dreg:$0x4] =	wrdreg $0xC0  }
0xab: {  	_ =	task [dreg:s7], $0x5FFFF  }
0xac: {  	[dreg:$0x1] =	wrdreg $0xFFFFFFFF  }
0xad: {  	[dreg:$0x0] =	wrdreg $0x60  }
0xae: {  	[dreg:$0x2] =	wrdreg s2  }
0xaf: {  	[dreg:$0x3] =	wrdreg s24  }
0xb0: {  	[dreg:$0x4] =	wrdreg $0x9  }
0xb1: {  	_ =	task.clear_ibuf [dreg:s7], $0x5FFFF;
	_ =	strace $0x90000046  }
0xb2: {  	s29 =	simm.s32 $0x9;
	_ =	strace $0x80000048  }
0xb3: {  	_ =	swait.ge [sflag:s29], $0x1  }
0xb4: {  	[sflag:s29] =	ssyncadd.s32 $0xFFFFFFFF  }
0xb5: {  	_ =	strace $0x90000048  }
0xb6: {  	_ =	sfence  }
0xb7: {  	s30 =	sld [smem:$0x0];
	_ =	sdelay $0x2  }
0xb8: {  	s31 =	sshll.u32 s1, $0xD;
	s1 =	sshrl.u32 s1, $0x2  }
0xb9: {  	s3 =	sand.u32 $0x4000, s31;
	s1 =	sadd.s32 s1, s30  }
0xba: {  	s0 =	sor.u32 s3, s0;
	s1 =	sshll.u32 s1, $0x11  }
0xbb: {  	s0 =	sor.u32 s1, s0  }
0xbc: {  	s0 =	sadd.s32 $0x8F2B, s0  }
0xbd: {  	[sflag:s0] =	ssyncadd.remote.s32 $0x1  }
0xbe: {  	_ =	sfence.sel $0xFFFF  }
0xbf: {  	[dreg:$0x0] =	wrdreg $0xFFFFFFFF;
	(pc) =	sbr.abs _section_cstart, $3  }
0xc0: {  	[dreg:$0x1] =	wrdreg $0xFFFFFFFF  }
0xc1: {  	_ =	task.clear_ibuf [dreg:s7], $0x2FFFF;
	_ =	strace $0x9FFFFFFF  }
0xc2: {  	(tm) =	ssettm $0x7FFFFFFF  }
0xc3: {  	_ =	shalt  }
tec
execute0_lowered:
.L_overlay_start_1:
0x0: {  	(tag) =	ssettag $0x1  }
0x1: {  	s0 =	srdreg.scid  }
0x2: {  	s3 =	sand.u32 $0x1, s0  }
0x3: {  	s0 =	stileid.u32;
	s1 =	sshll.u32 s3, $0x4  }
0x4: {  	s4 =	sand.u32 $0x7, s0;
	s1 =	sor.u32 s0, s1  }
0x5: {  	p1 =	sne.s32 s4, $0x0;
	p0 =	seq.s32 s1, $0x0  }
0x6: {  	s5 =	rddreg [dreg:$0x0];
	s6 =	simm.s32 $0x1;
	p0 =	por !p1, !p0  }
0x7: {  	s7 =	rddreg [dreg:$0x1];
	s2 =	simm.s32 $0x0;
	p0 =	por !p0, !p0  }
0x8: {  	s10 =	simm.s32 $0x6000;
	s8 =	sshrl.u32 s1, $0x3;
	s6 =	simm.s32 @!p0 $0x0  }
0x9: {  	s11 =	simm.s32 $0x2;
	s12 =	simm.s32 $0x3;
	s6 =	ssub.s32 s8, s6  }
0xa: {  	s13 =	simm.s32 $0x0;
	[smem:$0x7FF] =	sst s2;
	s6 =	smul.u32 $0x600000, s6  }
0xb: {  	s31 =	ssub.s32 $0x2, s3;
	s30 =	sshll.u32 s4, $0x4;
	s4 =	sshll.u32 s4, $0x7  }
0xc: {  	s3 =	simm.s32 $0x1;
	s9 =	sshrl.u32 s31, $0x1;
	s4 =	sor.u32 s4, s6  }
0xd: {  	s1 =	rddreg [dreg:$0x2];
	_ =	strace $0x80000047;
	s4 =	sshrl.u32 s4, $0x3  }
0xe: {  	s9 =	ssub.s32 s31, s9;
	s8 =	sadd.s32 s30, s7;
	s7 =	sadd.s32 s4, s7  }
0xf: {  	s4 =	sadd.s32 s5, s4;
	s5 =	sadd.s32 $0x400, s8;
	s8 =	simm.s32 $0x80  }
0x10: {  	s6 =	sadd.s32 $0xC0400, s7;
	s7 =	smax.u32 s9, $0x1;
	s9 =	simm.s32 $0x400  }
.LBB2_1:
0x11: {  	[tilespmem:s2], [sflag:$0x1] =	stream.strided.gather [hbm4b:s4+s8], $0x6000, s9, s8, $0x38;
	[tilespmem:$0xC000] =	vst v63  }
0x12: {  	_ = 	snop  }
0x13: {  	[tilespmem:s10], [sflag:$0x2] =	stream.strided.gather [hbm4b:s5+s8], $0x6000, s9, s8, $0x38;
	[tilespmem:$0xC000] =	vst v63  }
0x14: {  	_ =	swait.ge [sflag:s3], $0x6000  }
0x15: {  	[sflag:s3] =	ssyncset.done $0x0  }
0x16: {  	[sflag:s3] =	ssyncadd.s32 $0xFFFFA000  }
0x17: {  	_ =	swait.ge [sflag:s11], $0x6000  }
0x18: {  	[sflag:s11] =	ssyncset.done $0x0  }
0x19: {  	s14 =	simm.s32 $0x0;
	[sflag:s11] =	ssyncadd.s32 $0xFFFFA000  }
0x1a: {  	v0 =	vld [tilespmem:s14+$0x6070]  }
0x1b: {  	v1 =	vld [tilespmem:s14+$0x6000]  }
0x1c: {  	v2 =	vld [tilespmem:s14+$0x6010]  }
0x1d: {  	v3 =	vld [tilespmem:s14+$0x6020]  }
0x1e: {  	v4 =	vld [tilespmem:s14+$0x6030]  }
0x1f: {  	v5 =	vld [tilespmem:s14+$0x6040]  }
0x20: {  	v6 =	vld [tilespmem:s14+$0x6050]  }
0x21: {  	[tilespmem:s14+$0x70] =	vst.add.f32.msk $0xffff, v0  }
0x22: {  	v0 =	vld [tilespmem:s14+$0x6060]  }
0x23: {  	[tilespmem:s14+$0x0] =	vst.add.f32.msk $0xffff, v1  }
0x24: {  	[tilespmem:s14+$0x10] =	vst.add.f32.msk $0xffff, v2  }
0x25: {  	[tilespmem:s14+$0x20] =	vst.add.f32.msk $0xffff, v3  }
0x26: {  	[tilespmem:s14+$0x30] =	vst.add.f32.msk $0xffff, v4  }
0x27: {  	[tilespmem:s14+$0x40] =	vst.add.f32.msk $0xffff, v5  }
0x28: {  	s15 =	simm.s32 $0x0;
	s16 =	simm.s32 $0x200;
	[tilespmem:s14+$0x50] =	vst.add.f32.msk $0xffff, v6  }
.LBB2_2:
0x29: {  	s15 =	sadd.s32 $0x8, s15;
	[tilespmem:s14+$0x60] =	vst.add.f32.msk $0xffff, v0;
	s14 =	sshra.s32 s16, $0x2  }
0x2a: {  	v0 =	vld [tilespmem:s14+$0x6070];
	p0 =	slt.u32 s15, $0x5F8  }
0x2b: {  	v1 =	vld [tilespmem:s14+$0x6000]  }
0x2c: {  	v2 =	vld [tilespmem:s14+$0x6010]  }
0x2d: {  	v3 =	vld [tilespmem:s14+$0x6020]  }
0x2e: {  	v4 =	vld [tilespmem:s14+$0x6030]  }
0x2f: {  	[tilespmem:s14+$0x70] =	vst.add.f32.msk $0xffff, v0  }
0x30: {  	v5 =	vld [tilespmem:s14+$0x6040]  }
0x31: {  	v6 =	vld [tilespmem:s14+$0x6050]  }
0x32: {  	v0 =	vld [tilespmem:s14+$0x6060]  }
0x33: {  	[tilespmem:s14+$0x0] =	vst.add.f32.msk $0xffff, v1  }
.Ltmp0:
0x34: {  	[tilespmem:s14+$0x10] =	vst.add.f32.msk $0xffff, v2;
	(pc) =	sbr.rel @p0 .LBB2_2-.Ltmp0, $4  }
0x35: {  	[tilespmem:s14+$0x20] =	vst.add.f32.msk $0xffff, v3  }
0x36: {  	[tilespmem:s14+$0x30] =	vst.add.f32.msk $0xffff, v4  }
0x37: {  	[tilespmem:s14+$0x40] =	vst.add.f32.msk $0xffff, v5  }
0x38: {  	s16 =	sadd.s32 $0x200, s16;
	[tilespmem:s14+$0x50] =	vst.add.f32.msk $0xffff, v6  }
0x39: {  	s13 =	sadd.s32 $0x1, s13  }
0x3a: {  	p0 =	sne.s32 s13, s7  }
.Ltmp1:
0x3b: {  	[tilespmem:s14+$0x60] =	vst.add.f32.msk $0xffff, v0;
	(pc) =	sbr.rel @p0 .LBB2_1-.Ltmp1, $4  }
0x3c: {  	[hbm4b:s6+s8] =	stream.strided.scatter [tilespmem:s2], [sflag:$0x3], $0x6000, s9, s8, $0x38;
	[tilespmem:$0xC000] =	vst v63  }
0x3d: {  	_ =	swait.ge [sflag:s12], $0x6000  }
0x3e: {  	[sflag:s12] =	ssyncset.done $0x0  }
0x3f: {  	[sflag:s12] =	ssyncadd.s32 $0xFFFFA000  }
0x40: {  	_ =	sfence.sel $0x180000  }
0x41: {  	[bflag:$0x0] =	sbarrier.arrive $0xFFFF  }
0x42: {  	p0 =	sne.s32 s0, $0x0;
	_ =	strace $0x90000047  }
0x43: {  	s0 =	sadd.s32 @!p0 $0x100000, s1;
	[bflag:$0x2] =	sbarrier.arrive $0xFFFF  }
0x44: {  	[sflag:s0] =	ssyncadd.tile.s32 @!p0 $0x1;
	_ =	shalt  }
.Lfunc_end2:
_tile_overlayer_lowered:
.L_overlay_start_2:
0x45: {  	(tag) =	ssettag $0x2  }
0x46: {  	s0 =	rddreg [dreg:$0x0];
	s2 =	stileid.u32  }
0x47: {  	s1 =	rddreg [dreg:$0x1];
	p0 =	sne.s32 s2, $0x0  }
0x48: {  	s3 =	rddreg [dreg:$0x2];
	[bflag:$0x3] =	sbarrier.arrive $0xFFFF;
	s2 =	simm.s32 @!p0 $0x1C04  }
0x49: {  	[timem:s3], [sflag:s2] =	dma.local @!p0 [hbm:s0], s1  }
0x4a: {  	s0 =	simm.s32 @!p0 $0x4  }
0x4b: {  	_ =	swait.ge @!p0 [sflag:s0], s1  }
0x4c: {  	s1 =	ssub.s32 @!p0 $0x0, s1;
	[sflag:s0] =	ssyncset.done @!p0 $0x0  }
0x4d: {  	[sflag:s0] =	ssyncadd.s32 @!p0 s1  }
0x4e: {  	[bflag:$0x3] =	sbarrier.arrive $0xFFFF  }
0x4f: {  	_ =	shalt  }

</sc_bundles>
